<compile_context>
chip_gen: v7x
topology: tpu7x:2x2x1
jax: 0.10.2.dev20260603
libtpu: 0.0.44.dev20260713+nightly
codegen_flags: <defaults>
</compile_context>

<pallas_src>
import functools

import jax
import jax.numpy as jnp
from jax import lax
from jax.experimental import pallas as pl
from jax.experimental.pallas import tpu as pltpu
from jax.experimental.pallas import tpu_sc as plsc

VOCAB = 100000
DIM = 64
BATCH = 16384

_NC = 2
_NS = 16
_NW = _NC * _NS
_BPW = BATCH // _NW
_CH = 128
_NCH = _BPW // _CH
_L = 16

_COLS_BLK = 16384


def _rowsum_body(xt_ref, o_ref):
    o_ref[...] = jnp.sum(xt_ref[...], axis=0)


_rowsum = pl.pallas_call(
    _rowsum_body,
    grid=(pl.cdiv(VOCAB, _COLS_BLK),),
    in_specs=[pl.BlockSpec((DIM, _COLS_BLK), lambda i: (0, i))],
    out_specs=pl.BlockSpec((_COLS_BLK,), lambda i: (i,)),
    out_shape=jax.ShapeDtypeStruct((VOCAB,), jnp.float32),
)

_mesh = plsc.VectorSubcoreMesh(core_axis_name="c", subcore_axis_name="s")


@functools.partial(
    pl.kernel,
    mesh=_mesh,
    out_type=jax.ShapeDtypeStruct((BATCH,), jnp.float32),
    compiler_params=pltpu.CompilerParams(
        needs_layout_passes=False, use_tc_tiling_on_sc=False),
    scratch_types=[
        pltpu.VMEM((_NCH, _CH), jnp.int32),
        pltpu.VMEM((_BPW,), jnp.float32),
        pltpu.SemaphoreType.DMA,
        pltpu.SemaphoreType.DMA,
        pltpu.SemaphoreType.DMA,
        pltpu.SemaphoreType.DMA,
    ],
)
def _gather(sums_hbm, ind_hbm, out_hbm, idx_v, out_v, s0, s1, s2, s3):
    wid = lax.axis_index("s") * _NC + lax.axis_index("c")
    for j in range(_NCH):
        blk = wid * _NCH + j
        pltpu.sync_copy(ind_hbm.at[pl.ds(blk * 2 * _CH + _CH, _CH)],
                        idx_v.at[j])
    sems = (s0, s1, s2, s3)
    copies = [
        pltpu.async_copy(sums_hbm.at[idx_v.at[j]],
                         out_v.at[pl.ds(j * _CH, _CH)], sems[j])
        for j in range(_NCH)
    ]
    for c in copies:
        c.wait()
    pltpu.sync_copy(out_v, out_hbm.at[pl.ds(wid * _BPW, _BPW)])


def kernel(train_table, indices):
    sums = _rowsum(train_table.T)
    ind = indices.astype(jnp.int32)
    ind_flat = jnp.swapaxes(ind.reshape(BATCH // _CH, _CH, 2), 1, 2).reshape(-1)
    return _gather(sums, ind_flat)

# --- scband reference (transcript-rebuilt; emitter-appended) ---
"""Pipeline reference for scband-freq-43293270343771 (READ-ONLY COPY).

The authoritative reference and input builder live on the scoring server;
editing this copy changes nothing except your own understanding.
"""

import jax, jax.numpy as jnp
import numpy as np

VOCAB = 100000
DIM = 64
BATCH = 16384

def setup_inputs(seed: int = 0) -> dict:
    key = jax.random.key(seed)
    k1, k2 = jax.random.split(key)
    train_table = jax.random.normal(k1, (VOCAB, DIM), dtype=jnp.float32)
    indices = jax.random.randint(k2, (BATCH, 2), 0, VOCAB, dtype=jnp.int64)
    return {"train_table": train_table, "indices": indices}

def reference(train_table, indices):
    # __init__: self.train_table = torch.sum(train_table, 1)
    table = jnp.sum(train_table, axis=1)
    # forward: self.train_table[indices[:, 1]]
    return jnp.take(table, indices[:, 1], axis=0)

if __name__ == "__main__":
    import jax
    _d = setup_inputs()
    print(jax.jit(kernel)(*tuple(_d.values())))

</pallas_src>

<mosaic_0001>
#map = affine_map<(d0, d1) -> (0)>
module attributes {stable_mosaic.version = 14 : i64} {
  func.func @_gather(%arg0: i32, %arg1: i32, %arg2: memref<100000xf32, #tpu.memory_space<hbm>>, %arg3: memref<32768xi32, #tpu.memory_space<hbm>>, %arg4: memref<16384xf32, #tpu.memory_space<hbm>>, %arg5: memref<4x128xi32, #tpu.memory_space<vmem>>, %arg6: memref<512xf32, #tpu.memory_space<vmem>>, %arg7: memref<!tpu.dma_semaphore, #tpu.memory_space<semaphore_mem>>, %arg8: memref<!tpu.dma_semaphore, #tpu.memory_space<semaphore_mem>>, %arg9: memref<!tpu.dma_semaphore, #tpu.memory_space<semaphore_mem>>, %arg10: memref<!tpu.dma_semaphore, #tpu.memory_space<semaphore_mem>>) attributes {dimension_semantics = [#tpu.dimension_semantics<core_parallel>, #tpu.dimension_semantics<subcore_parallel>], iteration_bounds = array<i64: 2, 16>, scalar_prefetch = 0 : i64, scratch_operands = 6 : i64, tpu.core_type = #tpu.core_type<sc_vector_subcore>, window_params = [{transform_indices = #map}, {transform_indices = #map}, {transform_indices = #map}]} {
    %mul3A = arith.constant 2 : i32
    %mul3A_0 = arith.muli %arg1, %mul3A : i32
    %add3A = arith.addi %mul3A_0, %arg0 : i32
    %mul3A_1 = arith.constant 4 : i32
    %mul3A_2 = arith.muli %add3A, %mul3A_1 : i32
    %add3A_3 = arith.constant 0 : i32
    %add3A_4 = arith.addi %mul3A_2, %add3A_3 : i32
    %mul3A_5 = arith.constant 2 : i32
    %mul3A_6 = arith.muli %add3A_4, %mul3A_5 : i32
    %mul3A_7 = arith.constant 128 : i32
    %mul3A_8 = arith.muli %mul3A_6, %mul3A_7 : i32
    %add3A_9 = arith.constant 128 : i32
    %add3A_10 = arith.addi %mul3A_8, %add3A_9 : i32
    %run_scoped3A = arith.constant 0 : i32
    "tpu.region"() ({
      %run_scoped3A_108 = tpu.sem_alloc : memref<!tpu.dma_semaphore, #tpu.memory_space<semaphore_mem>>
      %dma_start3A_109 = arith.constant 0 : i32
      %dma_start3A_110 = tpu.memref_slice %arg5[%run_scoped3A, %dma_start3A_109] : memref<4x128xi32, #tpu.memory_space<vmem>> -> memref<1x128xi32, #tpu.memory_space<vmem>>
      %dma_start3A_111 = tpu.memref_squeeze %dma_start3A_110 : memref<1x128xi32, #tpu.memory_space<vmem>> -> memref<128xi32, #tpu.memory_space<vmem>>
      %dma_start3A_112 = tpu.memref_slice %arg3[%add3A_10] : memref<32768xi32, #tpu.memory_space<hbm>> -> memref<128xi32, #tpu.memory_space<hbm>>
      %dma_start3A_113 = arith.constant 0 : i32
      %dma_start3A_114 = tpu.memref_slice %arg5[%run_scoped3A, %dma_start3A_113] : memref<4x128xi32, #tpu.memory_space<vmem>> -> memref<1x128xi32, #tpu.memory_space<vmem>>
      %dma_start3A_115 = tpu.memref_squeeze %dma_start3A_114 : memref<1x128xi32, #tpu.memory_space<vmem>> -> memref<128xi32, #tpu.memory_space<vmem>>
      %dma_start3A_116 = tpu.memref_slice %arg3[%add3A_10] : memref<32768xi32, #tpu.memory_space<hbm>> -> memref<128xi32, #tpu.memory_space<hbm>>
      tpu.enqueue_dma source(%dma_start3A_116 : memref<128xi32, #tpu.memory_space<hbm>>) target(%dma_start3A_115 : memref<128xi32, #tpu.memory_space<vmem>>) target_semaphore(%run_scoped3A_108 : memref<!tpu.dma_semaphore, #tpu.memory_space<semaphore_mem>>)
      %dma_wait3A_117 = arith.constant 0 : i32
      %dma_wait3A_118 = tpu.memref_slice %arg5[%run_scoped3A, %dma_wait3A_117] : memref<4x128xi32, #tpu.memory_space<vmem>> -> memref<1x128xi32, #tpu.memory_space<vmem>>
      %dma_wait3A_119 = tpu.memref_squeeze %dma_wait3A_118 : memref<1x128xi32, #tpu.memory_space<vmem>> -> memref<128xi32, #tpu.memory_space<vmem>>
      %dma_wait3A_120 = tpu.memref_slice %arg3[%add3A_10] : memref<32768xi32, #tpu.memory_space<hbm>> -> memref<128xi32, #tpu.memory_space<hbm>>
      %dma_wait3A_121 = arith.constant 0 : i32
      %dma_wait3A_122 = tpu.memref_slice %arg5[%run_scoped3A, %dma_wait3A_121] : memref<4x128xi32, #tpu.memory_space<vmem>> -> memref<1x128xi32, #tpu.memory_space<vmem>>
      %dma_wait3A_123 = tpu.memref_squeeze %dma_wait3A_122 : memref<1x128xi32, #tpu.memory_space<vmem>> -> memref<128xi32, #tpu.memory_space<vmem>>
      %dma_wait3A_124 = tpu.memref_slice %arg3[%add3A_10] : memref<32768xi32, #tpu.memory_space<hbm>> -> memref<128xi32, #tpu.memory_space<hbm>>
      tpu.wait_dma2 semaphore(%run_scoped3A_108 : memref<!tpu.dma_semaphore, #tpu.memory_space<semaphore_mem>>) src(%dma_wait3A_124 : memref<128xi32, #tpu.memory_space<hbm>>) dst(%dma_wait3A_123 : memref<128xi32, #tpu.memory_space<vmem>>)
      tpu.yield
    }) : () -> ()
    %mul3A_11 = arith.constant 4 : i32
    %mul3A_12 = arith.muli %add3A, %mul3A_11 : i32
    %add3A_13 = arith.constant 1 : i32
    %add3A_14 = arith.addi %mul3A_12, %add3A_13 : i32
    %mul3A_15 = arith.constant 2 : i32
    %mul3A_16 = arith.muli %add3A_14, %mul3A_15 : i32
    %mul3A_17 = arith.constant 128 : i32
    %mul3A_18 = arith.muli %mul3A_16, %mul3A_17 : i32
    %add3A_19 = arith.constant 128 : i32
    %add3A_20 = arith.addi %mul3A_18, %add3A_19 : i32
    %run_scoped3A_21 = arith.constant 1 : i32
    "tpu.region"() ({
      %run_scoped3A_108 = tpu.sem_alloc : memref<!tpu.dma_semaphore, #tpu.memory_space<semaphore_mem>>
      %dma_start3A_109 = arith.constant 0 : i32
      %dma_start3A_110 = tpu.memref_slice %arg5[%run_scoped3A_21, %dma_start3A_109] : memref<4x128xi32, #tpu.memory_space<vmem>> -> memref<1x128xi32, #tpu.memory_space<vmem>>
      %dma_start3A_111 = tpu.memref_squeeze %dma_start3A_110 : memref<1x128xi32, #tpu.memory_space<vmem>> -> memref<128xi32, #tpu.memory_space<vmem>>
      %dma_start3A_112 = tpu.memref_slice %arg3[%add3A_20] : memref<32768xi32, #tpu.memory_space<hbm>> -> memref<128xi32, #tpu.memory_space<hbm>>
      %dma_start3A_113 = arith.constant 0 : i32
      %dma_start3A_114 = tpu.memref_slice %arg5[%run_scoped3A_21, %dma_start3A_113] : memref<4x128xi32, #tpu.memory_space<vmem>> -> memref<1x128xi32, #tpu.memory_space<vmem>>
      %dma_start3A_115 = tpu.memref_squeeze %dma_start3A_114 : memref<1x128xi32, #tpu.memory_space<vmem>> -> memref<128xi32, #tpu.memory_space<vmem>>
      %dma_start3A_116 = tpu.memref_slice %arg3[%add3A_20] : memref<32768xi32, #tpu.memory_space<hbm>> -> memref<128xi32, #tpu.memory_space<hbm>>
      tpu.enqueue_dma source(%dma_start3A_116 : memref<128xi32, #tpu.memory_space<hbm>>) target(%dma_start3A_115 : memref<128xi32, #tpu.memory_space<vmem>>) target_semaphore(%run_scoped3A_108 : memref<!tpu.dma_semaphore, #tpu.memory_space<semaphore_mem>>)
      %dma_wait3A_117 = arith.constant 0 : i32
      %dma_wait3A_118 = tpu.memref_slice %arg5[%run_scoped3A_21, %dma_wait3A_117] : memref<4x128xi32, #tpu.memory_space<vmem>> -> memref<1x128xi32, #tpu.memory_space<vmem>>
      %dma_wait3A_119 = tpu.memref_squeeze %dma_wait3A_118 : memref<1x128xi32, #tpu.memory_space<vmem>> -> memref<128xi32, #tpu.memory_space<vmem>>
      %dma_wait3A_120 = tpu.memref_slice %arg3[%add3A_20] : memref<32768xi32, #tpu.memory_space<hbm>> -> memref<128xi32, #tpu.memory_space<hbm>>
      %dma_wait3A_121 = arith.constant 0 : i32
      %dma_wait3A_122 = tpu.memref_slice %arg5[%run_scoped3A_21, %dma_wait3A_121] : memref<4x128xi32, #tpu.memory_space<vmem>> -> memref<1x128xi32, #tpu.memory_space<vmem>>
      %dma_wait3A_123 = tpu.memref_squeeze %dma_wait3A_122 : memref<1x128xi32, #tpu.memory_space<vmem>> -> memref<128xi32, #tpu.memory_space<vmem>>
      %dma_wait3A_124 = tpu.memref_slice %arg3[%add3A_20] : memref<32768xi32, #tpu.memory_space<hbm>> -> memref<128xi32, #tpu.memory_space<hbm>>
      tpu.wait_dma2 semaphore(%run_scoped3A_108 : memref<!tpu.dma_semaphore, #tpu.memory_space<semaphore_mem>>) src(%dma_wait3A_124 : memref<128xi32, #tpu.memory_space<hbm>>) dst(%dma_wait3A_123 : memref<128xi32, #tpu.memory_space<vmem>>)
      tpu.yield
    }) : () -> ()
    %mul3A_22 = arith.constant 4 : i32
    %mul3A_23 = arith.muli %add3A, %mul3A_22 : i32
    %add3A_24 = arith.constant 2 : i32
    %add3A_25 = arith.addi %mul3A_23, %add3A_24 : i32
    %mul3A_26 = arith.constant 2 : i32
    %mul3A_27 = arith.muli %add3A_25, %mul3A_26 : i32
    %mul3A_28 = arith.constant 128 : i32
    %mul3A_29 = arith.muli %mul3A_27, %mul3A_28 : i32
    %add3A_30 = arith.constant 128 : i32
    %add3A_31 = arith.addi %mul3A_29, %add3A_30 : i32
    %run_scoped3A_32 = arith.constant 2 : i32
    "tpu.region"() ({
      %run_scoped3A_108 = tpu.sem_alloc : memref<!tpu.dma_semaphore, #tpu.memory_space<semaphore_mem>>
      %dma_start3A_109 = arith.constant 0 : i32
      %dma_start3A_110 = tpu.memref_slice %arg5[%run_scoped3A_32, %dma_start3A_109] : memref<4x128xi32, #tpu.memory_space<vmem>> -> memref<1x128xi32, #tpu.memory_space<vmem>>
      %dma_start3A_111 = tpu.memref_squeeze %dma_start3A_110 : memref<1x128xi32, #tpu.memory_space<vmem>> -> memref<128xi32, #tpu.memory_space<vmem>>
      %dma_start3A_112 = tpu.memref_slice %arg3[%add3A_31] : memref<32768xi32, #tpu.memory_space<hbm>> -> memref<128xi32, #tpu.memory_space<hbm>>
      %dma_start3A_113 = arith.constant 0 : i32
      %dma_start3A_114 = tpu.memref_slice %arg5[%run_scoped3A_32, %dma_start3A_113] : memref<4x128xi32, #tpu.memory_space<vmem>> -> memref<1x128xi32, #tpu.memory_space<vmem>>
      %dma_start3A_115 = tpu.memref_squeeze %dma_start3A_114 : memref<1x128xi32, #tpu.memory_space<vmem>> -> memref<128xi32, #tpu.memory_space<vmem>>
      %dma_start3A_116 = tpu.memref_slice %arg3[%add3A_31] : memref<32768xi32, #tpu.memory_space<hbm>> -> memref<128xi32, #tpu.memory_space<hbm>>
      tpu.enqueue_dma source(%dma_start3A_116 : memref<128xi32, #tpu.memory_space<hbm>>) target(%dma_start3A_115 : memref<128xi32, #tpu.memory_space<vmem>>) target_semaphore(%run_scoped3A_108 : memref<!tpu.dma_semaphore, #tpu.memory_space<semaphore_mem>>)
      %dma_wait3A_117 = arith.constant 0 : i32
      %dma_wait3A_118 = tpu.memref_slice %arg5[%run_scoped3A_32, %dma_wait3A_117] : memref<4x128xi32, #tpu.memory_space<vmem>> -> memref<1x128xi32, #tpu.memory_space<vmem>>
      %dma_wait3A_119 = tpu.memref_squeeze %dma_wait3A_118 : memref<1x128xi32, #tpu.memory_space<vmem>> -> memref<128xi32, #tpu.memory_space<vmem>>
      %dma_wait3A_120 = tpu.memref_slice %arg3[%add3A_31] : memref<32768xi32, #tpu.memory_space<hbm>> -> memref<128xi32, #tpu.memory_space<hbm>>
      %dma_wait3A_121 = arith.constant 0 : i32
      %dma_wait3A_122 = tpu.memref_slice %arg5[%run_scoped3A_32, %dma_wait3A_121] : memref<4x128xi32, #tpu.memory_space<vmem>> -> memref<1x128xi32, #tpu.memory_space<vmem>>
      %dma_wait3A_123 = tpu.memref_squeeze %dma_wait3A_122 : memref<1x128xi32, #tpu.memory_space<vmem>> -> memref<128xi32, #tpu.memory_space<vmem>>
      %dma_wait3A_124 = tpu.memref_slice %arg3[%add3A_31] : memref<32768xi32, #tpu.memory_space<hbm>> -> memref<128xi32, #tpu.memory_space<hbm>>
      tpu.wait_dma2 semaphore(%run_scoped3A_108 : memref<!tpu.dma_semaphore, #tpu.memory_space<semaphore_mem>>) src(%dma_wait3A_124 : memref<128xi32, #tpu.memory_space<hbm>>) dst(%dma_wait3A_123 : memref<128xi32, #tpu.memory_space<vmem>>)
      tpu.yield
    }) : () -> ()
    %mul3A_33 = arith.constant 4 : i32
    %mul3A_34 = arith.muli %add3A, %mul3A_33 : i32
    %add3A_35 = arith.constant 3 : i32
    %add3A_36 = arith.addi %mul3A_34, %add3A_35 : i32
    %mul3A_37 = arith.constant 2 : i32
    %mul3A_38 = arith.muli %add3A_36, %mul3A_37 : i32
    %mul3A_39 = arith.constant 128 : i32
    %mul3A_40 = arith.muli %mul3A_38, %mul3A_39 : i32
    %add3A_41 = arith.constant 128 : i32
    %add3A_42 = arith.addi %mul3A_40, %add3A_41 : i32
    %run_scoped3A_43 = arith.constant 3 : i32
    "tpu.region"() ({
      %run_scoped3A_108 = tpu.sem_alloc : memref<!tpu.dma_semaphore, #tpu.memory_space<semaphore_mem>>
      %dma_start3A_109 = arith.constant 0 : i32
      %dma_start3A_110 = tpu.memref_slice %arg5[%run_scoped3A_43, %dma_start3A_109] : memref<4x128xi32, #tpu.memory_space<vmem>> -> memref<1x128xi32, #tpu.memory_space<vmem>>
      %dma_start3A_111 = tpu.memref_squeeze %dma_start3A_110 : memref<1x128xi32, #tpu.memory_space<vmem>> -> memref<128xi32, #tpu.memory_space<vmem>>
      %dma_start3A_112 = tpu.memref_slice %arg3[%add3A_42] : memref<32768xi32, #tpu.memory_space<hbm>> -> memref<128xi32, #tpu.memory_space<hbm>>
      %dma_start3A_113 = arith.constant 0 : i32
      %dma_start3A_114 = tpu.memref_slice %arg5[%run_scoped3A_43, %dma_start3A_113] : memref<4x128xi32, #tpu.memory_space<vmem>> -> memref<1x128xi32, #tpu.memory_space<vmem>>
      %dma_start3A_115 = tpu.memref_squeeze %dma_start3A_114 : memref<1x128xi32, #tpu.memory_space<vmem>> -> memref<128xi32, #tpu.memory_space<vmem>>
      %dma_start3A_116 = tpu.memref_slice %arg3[%add3A_42] : memref<32768xi32, #tpu.memory_space<hbm>> -> memref<128xi32, #tpu.memory_space<hbm>>
      tpu.enqueue_dma source(%dma_start3A_116 : memref<128xi32, #tpu.memory_space<hbm>>) target(%dma_start3A_115 : memref<128xi32, #tpu.memory_space<vmem>>) target_semaphore(%run_scoped3A_108 : memref<!tpu.dma_semaphore, #tpu.memory_space<semaphore_mem>>)
      %dma_wait3A_117 = arith.constant 0 : i32
      %dma_wait3A_118 = tpu.memref_slice %arg5[%run_scoped3A_43, %dma_wait3A_117] : memref<4x128xi32, #tpu.memory_space<vmem>> -> memref<1x128xi32, #tpu.memory_space<vmem>>
      %dma_wait3A_119 = tpu.memref_squeeze %dma_wait3A_118 : memref<1x128xi32, #tpu.memory_space<vmem>> -> memref<128xi32, #tpu.memory_space<vmem>>
      %dma_wait3A_120 = tpu.memref_slice %arg3[%add3A_42] : memref<32768xi32, #tpu.memory_space<hbm>> -> memref<128xi32, #tpu.memory_space<hbm>>
      %dma_wait3A_121 = arith.constant 0 : i32
      %dma_wait3A_122 = tpu.memref_slice %arg5[%run_scoped3A_43, %dma_wait3A_121] : memref<4x128xi32, #tpu.memory_space<vmem>> -> memref<1x128xi32, #tpu.memory_space<vmem>>
      %dma_wait3A_123 = tpu.memref_squeeze %dma_wait3A_122 : memref<1x128xi32, #tpu.memory_space<vmem>> -> memref<128xi32, #tpu.memory_space<vmem>>
      %dma_wait3A_124 = tpu.memref_slice %arg3[%add3A_42] : memref<32768xi32, #tpu.memory_space<hbm>> -> memref<128xi32, #tpu.memory_space<hbm>>
      tpu.wait_dma2 semaphore(%run_scoped3A_108 : memref<!tpu.dma_semaphore, #tpu.memory_space<semaphore_mem>>) src(%dma_wait3A_124 : memref<128xi32, #tpu.memory_space<hbm>>) dst(%dma_wait3A_123 : memref<128xi32, #tpu.memory_space<vmem>>)
      tpu.yield
    }) : () -> ()
    %dma_start3A = arith.constant 0 : i32
    %dma_start3A_44 = arith.constant 0 : i32
    %dma_start3A_45 = tpu.memref_slice %arg6[%dma_start3A_44] : memref<512xf32, #tpu.memory_space<vmem>> -> memref<128xf32, #tpu.memory_space<vmem>>
    %dma_start3A_46 = arith.constant 0 : i32
    %dma_start3A_47 = tpu.memref_slice %arg5[%dma_start3A, %dma_start3A_46] : memref<4x128xi32, #tpu.memory_space<vmem>> -> memref<1x128xi32, #tpu.memory_space<vmem>>
    %dma_start3A_48 = tpu.memref_squeeze %dma_start3A_47 : memref<1x128xi32, #tpu.memory_space<vmem>> -> memref<128xi32, #tpu.memory_space<vmem>>
    %dma_start3A_49 = arith.constant 0 : i32
    %dma_start3A_50 = tpu.memref_slice %arg2[%dma_start3A_49] : memref<100000xf32, #tpu.memory_space<hbm>> -> memref<100000xf32, #tpu.memory_space<hbm>>
    tpu.enqueue_indirect_dma source(%dma_start3A_50 : memref<100000xf32, #tpu.memory_space<hbm>>) target(%dma_start3A_45 : memref<128xf32, #tpu.memory_space<vmem>>) offsets(%dma_start3A_48 : memref<128xi32, #tpu.memory_space<vmem>>) semaphore(%arg7 : memref<!tpu.dma_semaphore, #tpu.memory_space<semaphore_mem>>)
    %dma_start3A_51 = arith.constant 1 : i32
    %dma_start3A_52 = arith.constant 128 : i32
    %dma_start3A_53 = tpu.memref_slice %arg6[%dma_start3A_52] : memref<512xf32, #tpu.memory_space<vmem>> -> memref<128xf32, #tpu.memory_space<vmem>>
    %dma_start3A_54 = arith.constant 0 : i32
    %dma_start3A_55 = tpu.memref_slice %arg5[%dma_start3A_51, %dma_start3A_54] : memref<4x128xi32, #tpu.memory_space<vmem>> -> memref<1x128xi32, #tpu.memory_space<vmem>>
    %dma_start3A_56 = tpu.memref_squeeze %dma_start3A_55 : memref<1x128xi32, #tpu.memory_space<vmem>> -> memref<128xi32, #tpu.memory_space<vmem>>
    %dma_start3A_57 = arith.constant 0 : i32
    %dma_start3A_58 = tpu.memref_slice %arg2[%dma_start3A_57] : memref<100000xf32, #tpu.memory_space<hbm>> -> memref<100000xf32, #tpu.memory_space<hbm>>
    tpu.enqueue_indirect_dma source(%dma_start3A_58 : memref<100000xf32, #tpu.memory_space<hbm>>) target(%dma_start3A_53 : memref<128xf32, #tpu.memory_space<vmem>>) offsets(%dma_start3A_56 : memref<128xi32, #tpu.memory_space<vmem>>) semaphore(%arg8 : memref<!tpu.dma_semaphore, #tpu.memory_space<semaphore_mem>>)
    %dma_start3A_59 = arith.constant 2 : i32
    %dma_start3A_60 = arith.constant 256 : i32
    %dma_start3A_61 = tpu.memref_slice %arg6[%dma_start3A_60] : memref<512xf32, #tpu.memory_space<vmem>> -> memref<128xf32, #tpu.memory_space<vmem>>
    %dma_start3A_62 = arith.constant 0 : i32
    %dma_start3A_63 = tpu.memref_slice %arg5[%dma_start3A_59, %dma_start3A_62] : memref<4x128xi32, #tpu.memory_space<vmem>> -> memref<1x128xi32, #tpu.memory_space<vmem>>
    %dma_start3A_64 = tpu.memref_squeeze %dma_start3A_63 : memref<1x128xi32, #tpu.memory_space<vmem>> -> memref<128xi32, #tpu.memory_space<vmem>>
    %dma_start3A_65 = arith.constant 0 : i32
    %dma_start3A_66 = tpu.memref_slice %arg2[%dma_start3A_65] : memref<100000xf32, #tpu.memory_space<hbm>> -> memref<100000xf32, #tpu.memory_space<hbm>>
    tpu.enqueue_indirect_dma source(%dma_start3A_66 : memref<100000xf32, #tpu.memory_space<hbm>>) target(%dma_start3A_61 : memref<128xf32, #tpu.memory_space<vmem>>) offsets(%dma_start3A_64 : memref<128xi32, #tpu.memory_space<vmem>>) semaphore(%arg9 : memref<!tpu.dma_semaphore, #tpu.memory_space<semaphore_mem>>)
    %dma_start3A_67 = arith.constant 3 : i32
    %dma_start3A_68 = arith.constant 384 : i32
    %dma_start3A_69 = tpu.memref_slice %arg6[%dma_start3A_68] : memref<512xf32, #tpu.memory_space<vmem>> -> memref<128xf32, #tpu.memory_space<vmem>>
    %dma_start3A_70 = arith.constant 0 : i32
    %dma_start3A_71 = tpu.memref_slice %arg5[%dma_start3A_67, %dma_start3A_70] : memref<4x128xi32, #tpu.memory_space<vmem>> -> memref<1x128xi32, #tpu.memory_space<vmem>>
    %dma_start3A_72 = tpu.memref_squeeze %dma_start3A_71 : memref<1x128xi32, #tpu.memory_space<vmem>> -> memref<128xi32, #tpu.memory_space<vmem>>
    %dma_start3A_73 = arith.constant 0 : i32
    %dma_start3A_74 = tpu.memref_slice %arg2[%dma_start3A_73] : memref<100000xf32, #tpu.memory_space<hbm>> -> memref<100000xf32, #tpu.memory_space<hbm>>
    tpu.enqueue_indirect_dma source(%dma_start3A_74 : memref<100000xf32, #tpu.memory_space<hbm>>) target(%dma_start3A_69 : memref<128xf32, #tpu.memory_space<vmem>>) offsets(%dma_start3A_72 : memref<128xi32, #tpu.memory_space<vmem>>) semaphore(%arg10 : memref<!tpu.dma_semaphore, #tpu.memory_space<semaphore_mem>>)
    %dma_wait3A = arith.constant 0 : i32
    %dma_wait3A_75 = arith.constant 0 : i32
    %dma_wait3A_76 = tpu.memref_slice %arg6[%dma_wait3A_75] : memref<512xf32, #tpu.memory_space<vmem>> -> memref<128xf32, #tpu.memory_space<vmem>>
    %dma_wait3A_77 = arith.constant 0 : i32
    %dma_wait3A_78 = tpu.memref_slice %arg5[%dma_wait3A, %dma_wait3A_77] : memref<4x128xi32, #tpu.memory_space<vmem>> -> memref<1x128xi32, #tpu.memory_space<vmem>>
    %dma_wait3A_79 = tpu.memref_squeeze %dma_wait3A_78 : memref<1x128xi32, #tpu.memory_space<vmem>> -> memref<128xi32, #tpu.memory_space<vmem>>
    %dma_wait3A_80 = arith.constant 0 : i32
    %dma_wait3A_81 = tpu.memref_slice %arg2[%dma_wait3A_80] : memref<100000xf32, #tpu.memory_space<hbm>> -> memref<100000xf32, #tpu.memory_space<hbm>>
    tpu.wait_indirect_dma semaphore(%arg7 : memref<!tpu.dma_semaphore, #tpu.memory_space<semaphore_mem>>) src(%dma_wait3A_81 : memref<100000xf32, #tpu.memory_space<hbm>>) dst(%dma_wait3A_76 : memref<128xf32, #tpu.memory_space<vmem>>)
    %dma_wait3A_82 = arith.constant 1 : i32
    %dma_wait3A_83 = arith.constant 128 : i32
    %dma_wait3A_84 = tpu.memref_slice %arg6[%dma_wait3A_83] : memref<512xf32, #tpu.memory_space<vmem>> -> memref<128xf32, #tpu.memory_space<vmem>>
    %dma_wait3A_85 = arith.constant 0 : i32
    %dma_wait3A_86 = tpu.memref_slice %arg5[%dma_wait3A_82, %dma_wait3A_85] : memref<4x128xi32, #tpu.memory_space<vmem>> -> memref<1x128xi32, #tpu.memory_space<vmem>>
    %dma_wait3A_87 = tpu.memref_squeeze %dma_wait3A_86 : memref<1x128xi32, #tpu.memory_space<vmem>> -> memref<128xi32, #tpu.memory_space<vmem>>
    %dma_wait3A_88 = arith.constant 0 : i32
    %dma_wait3A_89 = tpu.memref_slice %arg2[%dma_wait3A_88] : memref<100000xf32, #tpu.memory_space<hbm>> -> memref<100000xf32, #tpu.memory_space<hbm>>
    tpu.wait_indirect_dma semaphore(%arg8 : memref<!tpu.dma_semaphore, #tpu.memory_space<semaphore_mem>>) src(%dma_wait3A_89 : memref<100000xf32, #tpu.memory_space<hbm>>) dst(%dma_wait3A_84 : memref<128xf32, #tpu.memory_space<vmem>>)
    %dma_wait3A_90 = arith.constant 2 : i32
    %dma_wait3A_91 = arith.constant 256 : i32
    %dma_wait3A_92 = tpu.memref_slice %arg6[%dma_wait3A_91] : memref<512xf32, #tpu.memory_space<vmem>> -> memref<128xf32, #tpu.memory_space<vmem>>
    %dma_wait3A_93 = arith.constant 0 : i32
    %dma_wait3A_94 = tpu.memref_slice %arg5[%dma_wait3A_90, %dma_wait3A_93] : memref<4x128xi32, #tpu.memory_space<vmem>> -> memref<1x128xi32, #tpu.memory_space<vmem>>
    %dma_wait3A_95 = tpu.memref_squeeze %dma_wait3A_94 : memref<1x128xi32, #tpu.memory_space<vmem>> -> memref<128xi32, #tpu.memory_space<vmem>>
    %dma_wait3A_96 = arith.constant 0 : i32
    %dma_wait3A_97 = tpu.memref_slice %arg2[%dma_wait3A_96] : memref<100000xf32, #tpu.memory_space<hbm>> -> memref<100000xf32, #tpu.memory_space<hbm>>
    tpu.wait_indirect_dma semaphore(%arg9 : memref<!tpu.dma_semaphore, #tpu.memory_space<semaphore_mem>>) src(%dma_wait3A_97 : memref<100000xf32, #tpu.memory_space<hbm>>) dst(%dma_wait3A_92 : memref<128xf32, #tpu.memory_space<vmem>>)
    %dma_wait3A_98 = arith.constant 3 : i32
    %dma_wait3A_99 = arith.constant 384 : i32
    %dma_wait3A_100 = tpu.memref_slice %arg6[%dma_wait3A_99] : memref<512xf32, #tpu.memory_space<vmem>> -> memref<128xf32, #tpu.memory_space<vmem>>
    %dma_wait3A_101 = arith.constant 0 : i32
    %dma_wait3A_102 = tpu.memref_slice %arg5[%dma_wait3A_98, %dma_wait3A_101] : memref<4x128xi32, #tpu.memory_space<vmem>> -> memref<1x128xi32, #tpu.memory_space<vmem>>
    %dma_wait3A_103 = tpu.memref_squeeze %dma_wait3A_102 : memref<1x128xi32, #tpu.memory_space<vmem>> -> memref<128xi32, #tpu.memory_space<vmem>>
    %dma_wait3A_104 = arith.constant 0 : i32
    %dma_wait3A_105 = tpu.memref_slice %arg2[%dma_wait3A_104] : memref<100000xf32, #tpu.memory_space<hbm>> -> memref<100000xf32, #tpu.memory_space<hbm>>
    tpu.wait_indirect_dma semaphore(%arg10 : memref<!tpu.dma_semaphore, #tpu.memory_space<semaphore_mem>>) src(%dma_wait3A_105 : memref<100000xf32, #tpu.memory_space<hbm>>) dst(%dma_wait3A_100 : memref<128xf32, #tpu.memory_space<vmem>>)
    %mul3A_106 = arith.constant 512 : i32
    %mul3A_107 = arith.muli %add3A, %mul3A_106 : i32
    "tpu.region"() ({
      %run_scoped3A_108 = tpu.sem_alloc : memref<!tpu.dma_semaphore, #tpu.memory_space<semaphore_mem>>
      %dma_start3A_109 = tpu.memref_slice %arg4[%mul3A_107] : memref<16384xf32, #tpu.memory_space<hbm>> -> memref<512xf32, #tpu.memory_space<hbm>>
      %dma_start3A_110 = tpu.memref_slice %arg4[%mul3A_107] : memref<16384xf32, #tpu.memory_space<hbm>> -> memref<512xf32, #tpu.memory_space<hbm>>
      tpu.enqueue_dma source(%arg6 : memref<512xf32, #tpu.memory_space<vmem>>) target(%dma_start3A_110 : memref<512xf32, #tpu.memory_space<hbm>>) target_semaphore(%run_scoped3A_108 : memref<!tpu.dma_semaphore, #tpu.memory_space<semaphore_mem>>)
      %dma_wait3A_111 = tpu.memref_slice %arg4[%mul3A_107] : memref<16384xf32, #tpu.memory_space<hbm>> -> memref<512xf32, #tpu.memory_space<hbm>>
      %dma_wait3A_112 = tpu.memref_slice %arg4[%mul3A_107] : memref<16384xf32, #tpu.memory_space<hbm>> -> memref<512xf32, #tpu.memory_space<hbm>>
      tpu.wait_dma2 semaphore(%run_scoped3A_108 : memref<!tpu.dma_semaphore, #tpu.memory_space<semaphore_mem>>) src(%arg6 : memref<512xf32, #tpu.memory_space<vmem>>) dst(%dma_wait3A_112 : memref<512xf32, #tpu.memory_space<hbm>>)
      tpu.yield
    }) : () -> ()
    return
  }
}

module attributes {stable_mosaic.version = 14 : i64} {
  func.func @_rowsum_body(%arg0: i32, %arg1: memref<64x16384xf32, #tpu.memory_space<vmem>>, %arg2: memref<16384xf32, #tpu.memory_space<vmem>>) attributes {dimension_semantics = [#tpu.dimension_semantics<arbitrary>], iteration_bounds = array<i64: 7>, scalar_prefetch = 0 : i64, scratch_operands = 0 : i64, tpu.core_type = #tpu.core_type<tc>, window_params = [{transform_indices = @transform_0, window_bounds = array<i64: 64, 16384>}, {transform_indices = @transform_1, window_bounds = array<i64: 16384>}]} {
    %get3A = arith.constant 0 : index
    %get3A_0 = arith.constant 0 : index
    %get3A_1 = vector.load %arg1[%get3A, %get3A_0] : memref<64x16384xf32, #tpu.memory_space<vmem>>, vector<64x16384xf32>
    %reduce_sum3A = arith.constant dense<0.000000e+00> : vector<16384xf32>
    %reduce_sum3A_2 = vector.multi_reduction <add>, %get3A_1, %reduce_sum3A [0] : vector<64x16384xf32> to vector<16384xf32>
    %swap3A = arith.constant 0 : index
    %swap3A_3 = vector.load %arg2[%swap3A] : memref<16384xf32, #tpu.memory_space<vmem>>, vector<16384xf32>
    tpu.vector_store %arg2[%swap3A], %reduce_sum3A_2 {strides = array<i32>} : memref<16384xf32, #tpu.memory_space<vmem>>, vector<16384xf32>,
    return
  }
  func.func @transform_0(%arg0: i32) -> (i32, i32) {
    %c0_i32 = arith.constant 0 : i32
    %c0_i32_0 = arith.constant 0 : i32
    return %c0_i32, %arg0 : i32, i32
  }
  func.func @transform_1(%arg0: i32) -> i32 {
    %c0_i32 = arith.constant 0 : i32
    return %arg0 : i32
  }
}

</mosaic_0001>

<sc_bundles>
// kernel: kernel.4.cloned.1.call-start
scs
__scs_entry_jumppad:
0x0: {  	(pc) =	sbr.rel $0x88, $3  }
0x1: {  	(tag) =	ssettag $0x0;
	lr =	simm.s32 $0x1  }
0x2: {  	[smem:$0x3F9F] =	sst lr;
	_ =	strace $0xD0000000  }
0x3: {  	_ = 	snop  }
0x4: {  	_ = 	snop  }
0x5: {  	_ = 	snop  }
0x6: {  	_ = 	snop  }
0x7: {  	_ = 	snop  }
__scs_overlays_trampoline_lowered:
0x8: {  	[smem:$0x3FAE] =	sst s0  }
0x9: {  	[smem:$0x3FAF] =	sst s1  }
0xa: {  	[smem:$0x3FB0] =	sst s2  }
0xb: {  	[smem:$0x3FB1] =	sst s3  }
0xc: {  	[smem:$0x3FB2] =	sst s4  }
0xd: {  	[smem:$0x3FB3] =	sst s5  }
0xe: {  	[smem:$0x3FB4] =	sst s6  }
0xf: {  	[smem:$0x3FB5] =	sst s7  }
0x10: {  	[smem:$0x3FB6] =	sst s8  }
0x11: {  	[smem:$0x3FB7] =	sst s9;
	s0 =	simm.s32 @!p0 $0x0  }
0x12: {  	s1 =	sld [smem:$0x3F9D];
	s0 =	simm.s32 @p0 $0x1  }
0x13: {  	[smem:$0x3FB8] =	sst s0;
	s0 =	simm.s32 @!p1 $0x0  }
0x14: {  	s2 =	sld [smem:$0x3F9C];
	s0 =	simm.s32 @p1 $0x1  }
0x15: {  	[smem:$0x3FB9] =	sst s0;
	s0 =	simm.s32 @!p2 $0x0  }
0x16: {  	s3 =	sld [smem:$0x3FDB];
	s0 =	simm.s32 @p2 $0x1  }
0x17: {  	s4 =	simm.s32 $0x1BF5;
	[smem:$0x3FBB] =	sst s0  }
0x18: {  	s0 =	sld [smem:$0x3F9E];
	_ =	swait.ge [sflag:s4], $0x0  }
0x19: {  	s7 =	sld [smem:$0x3F9F]  }
0x1a: {  	s8 =	sadd.s32 $0xFFFFE003, lr  }
0x1b: {  	s9 =	sadd.s32 $0xFFFFFEF7, lr;
	s5 =	simm.s32 $0xFFFFFFFF;
	p2 =	slt.u32 s8, $0xFFFFF086  }
0x1c: {  	p1 =	slt.u32 s9, $0xF7A;
	s5 =	simm.s32 @!p2 $0x0  }
0x1d: {  	s5 =	simm.s32 @p1 $0x1;
	p0 =	seq.s32 s7, s2  }
0x1e: {  	s7 =	smul.u32 @!p0 $0xF7A, s2;
	p2 =	seq.s32 @!p0 s5, $0x0  }
0x1f: {  	s9 =	smul.u32 $0xF7A, s1;
	s8 =	simm.s32 @!p0 $0x1BF5;
	p2 =	por !p2, p0  }
0x20: {  	[sflag:s8] =	ssyncset.s32 @!p0 $0xFFFFF086;
	s6 =	sadd.s32 @!p0 s3, s7;
	s7 =	simm.s32 @!p0 $0x108  }
0x21: {  	s3 =	sadd.s32 s3, s9;
	s6 =	sadd.s32 @!p0 $0x88, s6;
	s7 =	simm.s32 @p2 $0x1082  }
0x22: {  	[simem:s7], [sflag:s8] =	dma.local @!p0 [hbm:s6], $0xF7A  }
0x23: {  	s9 =	sor.u32 $0xD0000000, s2;
	s6 =	simm.s32 $0x108;
	_ =	swait.ge @!p0 [sflag:s8], $0x0  }
0x24: {  	s3 =	sadd.s32 $0x88, s3;
	s6 =	simm.s32 @!p1 $0x1082;
	[sflag:s4] =	ssyncset.s32 $0xFFFFF086  }
0x25: {  	[simem:s6], [sflag:s4] =	dma.local [hbm:s3], $0xF7A  }
0x26: {  	[smem:$0x3F9F] =	sst s1;
	(tag) =	ssettag s2;
	_ =	strace s9  }
0x27: {  	s1 =	sld [smem:$0x3FAF]  }
0x28: {  	s2 =	sld [smem:$0x3FB0]  }
0x29: {  	s4 =	sld [smem:$0x3FB2]  }
0x2a: {  	p0 =	seq.s32 s5, $0x0;
	s5 =	sld [smem:$0x3FB3]  }
0x2b: {  	s6 =	sld [smem:$0x3FB4]  }
0x2c: {  	s7 =	sld [smem:$0x3FB5]  }
0x2d: {  	s3 =	simm.s32 $0x108;
	s8 =	sld [smem:$0x3FB6]  }
0x2e: {  	s3 =	simm.s32 @!p0 $0x1082;
	s9 =	sld [smem:$0x3FB7]  }
0x2f: {  	lr =	sadd.s32 s0, s3;
	s0 =	sld [smem:$0x3FAE]  }
0x30: {  	s3 =	sld [smem:$0x3FB1]  }
0x31: {  	[smem:$0x3FBA] =	sst s10  }
0x32: {  	s10 =	sld [smem:$0x3FB8];
	_ =	sdelay $0x3  }
0x33: {  	p0 =	seq.s32 s10, $0x1;
	s10 =	sld [smem:$0x3FBA];
	_ =	sdelay $0x3  }
0x34: {  	[smem:$0x3FBA] =	sst s10  }
0x35: {  	s10 =	sld [smem:$0x3FB9];
	_ =	sdelay $0x3  }
0x36: {  	p1 =	seq.s32 s10, $0x1;
	s10 =	sld [smem:$0x3FBA];
	_ =	sdelay $0x3  }
0x37: {  	[smem:$0x3FBA] =	sst s10  }
0x38: {  	s10 =	sld [smem:$0x3FBB]  }
0x39: {  	_ = 	snop;
	(pc) =	sbr.ind lr, $3  }
0x3a: {  	_ = 	snop  }
0x3b: {  	_ = 	snop  }
0x3c: {  	p2 =	seq.s32 s10, $0x1;
	s10 =	sld [smem:$0x3FBA]  }
0x3d: {  	_ =	shalt  }
0x3e: {  	_ =	shalt  }
0x3f: {  	_ =	shalt  }
0x40: {  	_ =	shalt  }
0x41: {  	_ =	shalt  }
0x42: {  	_ =	shalt  }
0x43: {  	_ =	shalt  }
0x44: {  	_ =	shalt  }
0x45: {  	_ =	shalt  }
0x46: {  	_ =	shalt  }
0x47: {  	_ =	shalt  }
0x48: {  	_ =	shalt  }
0x49: {  	_ =	shalt  }
0x4a: {  	_ =	shalt  }
0x4b: {  	_ =	shalt  }
0x4c: {  	_ =	shalt  }
0x4d: {  	_ =	shalt  }
0x4e: {  	_ =	shalt  }
0x4f: {  	_ =	shalt  }
0x50: {  	_ =	shalt  }
0x51: {  	_ =	shalt  }
0x52: {  	_ =	shalt  }
0x53: {  	_ =	shalt  }
0x54: {  	_ =	shalt  }
0x55: {  	_ =	shalt  }
0x56: {  	_ =	shalt  }
0x57: {  	_ =	shalt  }
0x58: {  	_ =	shalt  }
0x59: {  	_ =	shalt  }
0x5a: {  	_ =	shalt  }
0x5b: {  	_ =	shalt  }
0x5c: {  	_ =	shalt  }
0x5d: {  	_ =	shalt  }
0x5e: {  	_ =	shalt  }
0x5f: {  	_ =	shalt  }
0x60: {  	_ =	shalt  }
0x61: {  	_ =	shalt  }
0x62: {  	_ =	shalt  }
0x63: {  	_ =	shalt  }
0x64: {  	_ =	shalt  }
0x65: {  	_ =	shalt  }
0x66: {  	_ =	shalt  }
0x67: {  	_ =	shalt  }
0x68: {  	_ =	shalt  }
0x69: {  	_ =	shalt  }
0x6a: {  	_ =	shalt  }
0x6b: {  	_ =	shalt  }
0x6c: {  	_ =	shalt  }
0x6d: {  	_ =	shalt  }
0x6e: {  	_ =	shalt  }
0x6f: {  	_ =	shalt  }
0x70: {  	_ =	shalt  }
0x71: {  	_ =	shalt  }
0x72: {  	_ =	shalt  }
0x73: {  	_ =	shalt  }
0x74: {  	_ =	shalt  }
0x75: {  	_ =	shalt  }
0x76: {  	_ =	shalt  }
0x77: {  	_ =	shalt  }
0x78: {  	_ =	shalt  }
0x79: {  	_ =	shalt  }
0x7a: {  	_ =	shalt  }
0x7b: {  	_ =	shalt  }
0x7c: {  	_ =	shalt  }
0x7d: {  	_ =	shalt  }
0x7e: {  	_ =	shalt  }
0x7f: {  	_ =	shalt  }
0x80: {  	_ =	shalt  }
0x81: {  	_ =	shalt  }
0x82: {  	_ =	shalt  }
0x83: {  	_ =	shalt  }
0x84: {  	_ =	shalt  }
0x85: {  	_ =	shalt  }
0x86: {  	_ =	shalt  }
0x87: {  	_ =	shalt  }
.Lfunc_end0:
.L_simem_size_0:
called_computation_lowered:
.L_overlay_start_0:
0x88: {  	s2 =	sld [smem:$0x3FD9]  }
0x89: {  	s3 =	sld [smem:$0x3FFE];
	_ =	sdelay $0x1  }
0x8a: {  	s1 =	srdreg.scid  }
0x8b: {  	s0 =	sand.u32 $0x1, s1  }
0x8c: {  	s17 =	sshll.u32 s0, $0xA;
	s2 =	sadd.s32 s3, s2  }
0x8d: {  	s2 =	sadd.s32 s2, s17  }
0x8e: {  	[smem:$0x3FC6] =	sst s2  }
0x8f: {  	_ = 	snop  }
0x90: {  	s2 =	sld [smem:$0x3FC8]  }
0x91: {  	s18 =	sld [smem:$0x3FD0];
	(tm) =	ssettm $0x1  }
0x92: {  	s4 =	sld [smem:$0x3FFB];
	_ =	sdelay $0x3  }
0x93: {  	_ =	strace s4  }
0x94: {  	s4 =	sld [smem:$0x3FFC];
	_ =	sdelay $0x3  }
0x95: {  	_ =	strace s4  }
0x96: {  	s4 =	sld [smem:$0x3FFD];
	_ =	sdelay $0x3  }
0x97: {  	_ =	strace s4  }
0x98: {  	_ =	strace $0x8FFFFFFF  }
0x99: {  	s19 =	sld [smem:$0x3FDB];
	_ =	sdelay $0x1  }
0x9a: {  	s5 =	simm.s32 $_scs_section_size  }
0x9b: {  	s6 =	simm.s32 $_size__tile_overlayer_lowered;
	s7 =	simm.s32 $_tile_overlayer_lowered  }
0x9c: {  	s22 =	simm.s32 $0x1BFF;
	s21 =	sshll.u32 s7, $0x1;
	s4 =	sadd.s32 s5, s19  }
0x9d: {  	s8 =	simm.s32 $0x0;
	s20 =	sshll.u32 s6, $0x1;
	s6 =	sadd.s32 s21, s4  }
0x9e: {  	[timem:s8], [sflag:s22] =	dma.local [hbm:s6], s20  }
0x9f: {  	_ =	swait.ge [sflag:s22], s20  }
0xa0: {  	s5 =	ssub.s32 $0x0, s20;
	[sflag:s22] =	ssyncset.done $0x0  }
0xa1: {  	[sflag:s22] =	ssyncadd.s32 s5;
	_ =	sdelay $0x1  }
0xa2: {  	s23 =	simm.s32 $0x1B8B  }
0xa3: {  	_ =	swait.ge [sflag:s23], $0x1  }
0xa4: {  	[sflag:s23] =	ssyncset.done $0x0  }
0xa5: {  	s25 =	simm.s32 $0x1B8E;
	s24 =	sld [smem:$0x3FFE];
	[sflag:s23] =	ssyncadd.s32 $0xFFFFFFFF  }
0xa6: {  	s26 =	simm.s32 $execute0_lowered;
	[smem:$0x3FD2] =	sst s25  }
0xa7: {  	s6 =	sshll.u32 s26, $0x1;
	_ =	strace $0x80000046;
	[dreg:$0x1] =	wrdreg $0xFFFFFFFF  }
0xa8: {  	s28 =	simm.s32 $_size_execute0_lowered;
	s4 =	sadd.s32 s4, s6;
	[dreg:$0x0] =	wrdreg $0x0  }
0xa9: {  	s6 =	sshll.u32 s28, $0x1;
	[dreg:$0x2] =	wrdreg s4  }
0xaa: {  	[dreg:$0x3] =	wrdreg s6  }
0xab: {  	[dreg:$0x4] =	wrdreg $0xC0  }
0xac: {  	_ =	task [dreg:s8], $0x5FFFF  }
0xad: {  	[dreg:$0x1] =	wrdreg $0xFFFFFFFF  }
0xae: {  	[dreg:$0x0] =	wrdreg $0x60  }
0xaf: {  	[dreg:$0x2] =	wrdreg s24  }
0xb0: {  	[dreg:$0x3] =	wrdreg s2  }
0xb1: {  	[dreg:$0x4] =	wrdreg s18  }
0xb2: {  	[dreg:$0x5] =	wrdreg $0x9  }
0xb3: {  	_ =	task.clear_ibuf [dreg:s8], $0x6FFFF;
	_ =	strace $0x90000046  }
0xb4: {  	s29 =	simm.s32 $0x9;
	_ =	strace $0x80000048  }
0xb5: {  	_ =	swait.ge [sflag:s29], $0x1  }
0xb6: {  	[sflag:s29] =	ssyncadd.s32 $0xFFFFFFFF  }
0xb7: {  	_ =	strace $0x90000048  }
0xb8: {  	_ =	sfence  }
0xb9: {  	s30 =	sld [smem:$0x0];
	_ =	sdelay $0x2  }
0xba: {  	s31 =	sshll.u32 s1, $0xD;
	s1 =	sshrl.u32 s1, $0x2  }
0xbb: {  	s3 =	sand.u32 $0x4000, s31;
	s1 =	sadd.s32 s1, s30  }
0xbc: {  	s0 =	sor.u32 s3, s0;
	s1 =	sshll.u32 s1, $0x11  }
0xbd: {  	s0 =	sor.u32 s1, s0  }
0xbe: {  	s0 =	sadd.s32 $0x8F2B, s0  }
0xbf: {  	[sflag:s0] =	ssyncadd.remote.s32 $0x1  }
0xc0: {  	_ =	sfence.sel $0xFFFF  }
0xc1: {  	[dreg:$0x0] =	wrdreg $0xFFFFFFFF;
	(pc) =	sbr.abs _section_cstart, $3  }
0xc2: {  	[dreg:$0x1] =	wrdreg $0xFFFFFFFF  }
0xc3: {  	_ =	task.clear_ibuf [dreg:s8], $0x2FFFF;
	_ =	strace $0x9FFFFFFF  }
0xc4: {  	(tm) =	ssettm $0x7FFFFFFF  }
0xc5: {  	_ =	shalt  }
tec
execute0_lowered:
.L_overlay_start_1:
0x0: {  	(tag) =	ssettag $0x1  }
0x1: {  	s11 =	rddreg [dreg:$0x0]  }
0x2: {  	s1 =	srdreg.scid;
	s0 =	stileid.u32  }
0x3: {  	s3 =	rddreg [dreg:$0x1];
	s19 =	sand.u32 $0x1, s1;
	s30 =	sshll.u32 s0, $0x1  }
0x4: {  	s20 =	rddreg [dreg:$0x2];
	s21 =	sor.u32 s19, s30  }
0x5: {  	s2 =	simm.s32 $0x0;
	s1 =	rddreg [dreg:$0x3];
	s4 =	sshll.u32 s21, $0x7  }
0x6: {  	[smem:$0x7FF] =	sst s2;
	s9 =	sadd.s32 s4, s3  }
0x7: {  	_ =	strace $0x80000047;
	s3 =	simm.s32 $0x5;
	s4 =	sadd.s32 $0x10, s9  }
0x8: {  	[tilespmem:s2], [sflag:$0x5] =	stream.linear.gather [hbm4b:s4+s2], $0x80, $0x38;
	[tilespmem:$0x400] =	vst v63  }
0x9: {  	_ =	swait.ge [sflag:s3], $0x80  }
0xa: {  	[sflag:s3] =	ssyncset.done $0x0  }
0xb: {  	s6 =	simm.s32 $0x80;
	s5 =	sadd.s32 $0x30, s9;
	[sflag:s3] =	ssyncadd.s32 $0xFFFFFF80  }
0xc: {  	[tilespmem:s6], [sflag:$0x5] =	stream.linear.gather [hbm4b:s5+s2], $0x80, $0x38;
	[tilespmem:$0x400] =	vst v63  }
0xd: {  	_ =	swait.ge [sflag:s3], $0x80  }
0xe: {  	[sflag:s3] =	ssyncset.done $0x0  }
0xf: {  	s8 =	simm.s32 $0x100;
	s7 =	sadd.s32 $0x50, s9;
	[sflag:s3] =	ssyncadd.s32 $0xFFFFFF80  }
0x10: {  	[tilespmem:s8], [sflag:$0x5] =	stream.linear.gather [hbm4b:s7+s2], $0x80, $0x38;
	[tilespmem:$0x400] =	vst v63  }
0x11: {  	_ =	swait.ge [sflag:s3], $0x80  }
0x12: {  	[sflag:s3] =	ssyncset.done $0x0  }
0x13: {  	s10 =	simm.s32 $0x180;
	s9 =	sadd.s32 $0x70, s9;
	[sflag:s3] =	ssyncadd.s32 $0xFFFFFF80  }
0x14: {  	[tilespmem:s10], [sflag:$0x5] =	stream.linear.gather [hbm4b:s9+s2], $0x80, $0x38;
	[tilespmem:$0x400] =	vst v63  }
0x15: {  	_ =	swait.ge [sflag:s3], $0x80  }
0x16: {  	[sflag:s3] =	ssyncset.done $0x0  }
0x17: {  	s12 =	simm.s32 $0x200;
	s11 =	sadd.s32 $0x600, s11;
	[sflag:s3] =	ssyncadd.s32 $0xFFFFFF80  }
0x18: {  	[tilespmem:s12], [sflag:$0x1] =	stream.indirect.gather [hbm4b:s11+s6], $0x1, s2, s6, $0xb8;
	[tilespmem:$0x400] =	vst v63  }
0x19: {  	s13 =	simm.s32 $0x280  }
0x1a: {  	[tilespmem:s13], [sflag:$0x2] =	stream.indirect.gather [hbm4b:s11+s6], $0x1, s6, s6, $0xb8;
	[tilespmem:$0x400] =	vst v63  }
0x1b: {  	s14 =	simm.s32 $0x300  }
0x1c: {  	[tilespmem:s14], [sflag:$0x3] =	stream.indirect.gather [hbm4b:s11+s6], $0x1, s8, s6, $0xb8;
	[tilespmem:$0x400] =	vst v63  }
0x1d: {  	s15 =	simm.s32 $0x380;
	s16 =	simm.s32 $0x1  }
0x1e: {  	[tilespmem:s15], [sflag:$0x4] =	stream.indirect.gather [hbm4b:s11+s6], $0x1, s10, s6, $0xb8;
	[tilespmem:$0x400] =	vst v63  }
0x1f: {  	_ =	swait.ge [sflag:s16], $0x80  }
0x20: {  	[sflag:s16] =	ssyncset.done $0x0  }
0x21: {  	s17 =	simm.s32 $0x2;
	[sflag:s16] =	ssyncadd.s32 $0xFFFFFF80  }
0x22: {  	_ =	swait.ge [sflag:s17], $0x80  }
0x23: {  	[sflag:s17] =	ssyncset.done $0x0  }
0x24: {  	s18 =	simm.s32 $0x3;
	s22 =	ssub.s32 $0x2, s19;
	[sflag:s17] =	ssyncadd.s32 $0xFFFFFF80  }
0x25: {  	s23 =	sshrl.u32 s22, $0x1;
	_ =	swait.ge [sflag:s18], $0x80  }
0x26: {  	s22 =	ssub.s32 s22, s23;
	[sflag:s18] =	ssyncset.done $0x0  }
0x27: {  	s19 =	simm.s32 $0x4;
	s31 =	smax.u32 s22, $0x1;
	[sflag:s18] =	ssyncadd.s32 $0xFFFFFF80  }
0x28: {  	p0 =	sne.s32 s31, $0x1;
	_ =	swait.ge [sflag:s19], $0x80  }
.Ltmp0:
0x29: {  	s21 =	sshll.u32 s21, $0x6;
	[sflag:s19] =	ssyncset.done $0x0;
	(pc) =	sbr.rel @!p0 .LBB2_2-.Ltmp0, $4  }
0x2a: {  	s20 =	sadd.s32 s20, s21;
	[sflag:s19] =	ssyncadd.s32 $0xFFFFFF80  }
0x2b: {  	[hbm4b:s20+s2] =	stream.linear.scatter [tilespmem:s12], [sflag:$0x5], $0x200, $0x38;
	[tilespmem:$0x400] =	vst v63  }
0x2c: {  	_ =	swait.ge [sflag:s3], $0x200  }
0x2d: {  	s21 =	sadd.s32 $0xFFFFFFFF, s31;
	[sflag:s3] =	ssyncset.done $0x0  }
.LBB2_1:
0x2e: {  	p0 =	sne.s32 s21, $0x1;
	s21 =	sadd.s32 $0xFFFFFFFF, s21;
	[sflag:s3] =	ssyncadd.s32 $0xFFFFFE00  }
0x2f: {  	[tilespmem:s2], [sflag:$0x5] =	stream.linear.gather [hbm4b:s4+s2], $0x80, $0x38;
	[tilespmem:$0x400] =	vst v63  }
0x30: {  	_ =	swait.ge [sflag:s3], $0x80  }
0x31: {  	[sflag:s3] =	ssyncset.done $0x0  }
0x32: {  	[sflag:s3] =	ssyncadd.s32 $0xFFFFFF80  }
0x33: {  	[tilespmem:s6], [sflag:$0x5] =	stream.linear.gather [hbm4b:s5+s2], $0x80, $0x38;
	[tilespmem:$0x400] =	vst v63  }
0x34: {  	_ =	swait.ge [sflag:s3], $0x80  }
0x35: {  	[sflag:s3] =	ssyncset.done $0x0  }
0x36: {  	[sflag:s3] =	ssyncadd.s32 $0xFFFFFF80  }
0x37: {  	[tilespmem:s8], [sflag:$0x5] =	stream.linear.gather [hbm4b:s7+s2], $0x80, $0x38;
	[tilespmem:$0x400] =	vst v63  }
0x38: {  	_ =	swait.ge [sflag:s3], $0x80  }
0x39: {  	[sflag:s3] =	ssyncset.done $0x0  }
0x3a: {  	[sflag:s3] =	ssyncadd.s32 $0xFFFFFF80  }
0x3b: {  	[tilespmem:s10], [sflag:$0x5] =	stream.linear.gather [hbm4b:s9+s2], $0x80, $0x38;
	[tilespmem:$0x400] =	vst v63  }
0x3c: {  	_ =	swait.ge [sflag:s3], $0x80  }
0x3d: {  	[sflag:s3] =	ssyncset.done $0x0  }
0x3e: {  	[sflag:s3] =	ssyncadd.s32 $0xFFFFFF80  }
0x3f: {  	[tilespmem:s12], [sflag:$0x1] =	stream.indirect.gather [hbm4b:s11+s6], $0x1, s2, s6, $0xb8;
	[tilespmem:$0x400] =	vst v63  }
0x40: {  	_ = 	snop  }
0x41: {  	[tilespmem:s13], [sflag:$0x2] =	stream.indirect.gather [hbm4b:s11+s6], $0x1, s6, s6, $0xb8;
	[tilespmem:$0x400] =	vst v63  }
0x42: {  	_ = 	snop  }
0x43: {  	[tilespmem:s14], [sflag:$0x3] =	stream.indirect.gather [hbm4b:s11+s6], $0x1, s8, s6, $0xb8;
	[tilespmem:$0x400] =	vst v63  }
0x44: {  	_ = 	snop  }
0x45: {  	[tilespmem:s15], [sflag:$0x4] =	stream.indirect.gather [hbm4b:s11+s6], $0x1, s10, s6, $0xb8;
	[tilespmem:$0x400] =	vst v63  }
0x46: {  	_ =	swait.ge [sflag:s16], $0x80  }
0x47: {  	[sflag:s16] =	ssyncset.done $0x0  }
0x48: {  	[sflag:s16] =	ssyncadd.s32 $0xFFFFFF80  }
0x49: {  	_ =	swait.ge [sflag:s17], $0x80  }
0x4a: {  	[sflag:s17] =	ssyncset.done $0x0  }
0x4b: {  	[sflag:s17] =	ssyncadd.s32 $0xFFFFFF80  }
0x4c: {  	_ =	swait.ge [sflag:s18], $0x80  }
0x4d: {  	[sflag:s18] =	ssyncset.done $0x0  }
0x4e: {  	[sflag:s18] =	ssyncadd.s32 $0xFFFFFF80  }
0x4f: {  	_ =	swait.ge [sflag:s19], $0x80  }
.Ltmp1:
0x50: {  	[sflag:s19] =	ssyncset.done $0x0;
	(pc) =	sbr.rel @p0 .LBB2_1-.Ltmp1, $4  }
0x51: {  	[sflag:s19] =	ssyncadd.s32 $0xFFFFFF80  }
0x52: {  	[hbm4b:s20+s2] =	stream.linear.scatter [tilespmem:s12], [sflag:$0x5], $0x200, $0x38;
	[tilespmem:$0x400] =	vst v63  }
0x53: {  	_ =	swait.ge [sflag:s3], $0x200  }
0x54: {  	[sflag:s3] =	ssyncset.done $0x0  }
.LBB2_2:
0x55: {  	[sflag:s3] =	ssyncadd.s32 $0xFFFFFE00  }
0x56: {  	_ =	sfence.sel $0x180000  }
0x57: {  	[bflag:$0x0] =	sbarrier.arrive $0xFFFF  }
0x58: {  	p0 =	sne.s32 s0, $0x0;
	_ =	strace $0x90000047  }
0x59: {  	s0 =	sadd.s32 @!p0 $0x100000, s1;
	[bflag:$0x2] =	sbarrier.arrive $0xFFFF  }
0x5a: {  	[sflag:s0] =	ssyncadd.tile.s32 @!p0 $0x1;
	_ =	shalt  }
.Lfunc_end2:
_tile_overlayer_lowered:
.L_overlay_start_2:
0x5b: {  	(tag) =	ssettag $0x2  }
0x5c: {  	s0 =	rddreg [dreg:$0x0];
	s2 =	stileid.u32  }
0x5d: {  	s1 =	rddreg [dreg:$0x1];
	p0 =	sne.s32 s2, $0x0  }
0x5e: {  	s3 =	rddreg [dreg:$0x2];
	[bflag:$0x3] =	sbarrier.arrive $0xFFFF;
	s2 =	simm.s32 @!p0 $0x1C05  }
0x5f: {  	[timem:s3], [sflag:s2] =	dma.local @!p0 [hbm:s0], s1  }
0x60: {  	s0 =	simm.s32 @!p0 $0x5  }
0x61: {  	_ =	swait.ge @!p0 [sflag:s0], s1  }
0x62: {  	s1 =	ssub.s32 @!p0 $0x0, s1;
	[sflag:s0] =	ssyncset.done @!p0 $0x0  }
0x63: {  	[sflag:s0] =	ssyncadd.s32 @!p0 s1  }
0x64: {  	[bflag:$0x3] =	sbarrier.arrive $0xFFFF  }
0x65: {  	_ =	shalt  }

</sc_bundles>
